<compile_context>
chip_gen: v7x
topology: tpu7x:2x2x1
jax: 0.10.2.dev20260603
libtpu: 0.0.44.dev20260713+nightly
codegen_flags: <defaults>
</compile_context>

<pallas_src>
import functools

import jax
import jax.numpy as jnp
from jax import lax
from jax.experimental import pallas as pl
from jax.experimental.pallas import tpu as pltpu
from jax.experimental.pallas import tpu_sc as plsc

_BLOCK_M = 256
_COMMITMENT_COST = 0.25
_ENTROPY_LOSS_RATIO = 0.1
_ENTROPY_TEMPERATURE = 0.01


def _vq_body(nsteps, total_rows, e_dim, x_ref, cbt_ref, idx_ref, e_ref, q_ref,
             ent_ref, loss_ref, b2_ref, avgp_ref, sent_ref, mind_ref):
    i = pl.program_id(0)

    @pl.when(i == 0)
    def _init():
        cbt = cbt_ref[...]
        b2_ref[...] = jnp.sum(cbt * cbt, axis=0, keepdims=True)
        avgp_ref[...] = jnp.zeros_like(avgp_ref)
        sent_ref[...] = jnp.zeros_like(sent_ref)
        mind_ref[...] = jnp.zeros_like(mind_ref)

    xb = x_ref[...]
    a2 = jnp.sum(xb * xb, axis=1, keepdims=True)
    ab = jnp.dot(xb, cbt_ref[...], preferred_element_type=jnp.float32)
    dist = (a2 - 2.0 * ab) + b2_ref[...]

    mind = jnp.min(dist, axis=1, keepdims=True)
    kidx = lax.broadcasted_iota(jnp.int32, dist.shape, 1)
    idx = jnp.min(jnp.where(dist == mind, kidx, dist.shape[1]),
                  axis=1, keepdims=True)
    idx_ref[...] = idx

    u = mind - dist
    p = jnp.exp2(u * (1.4426950408889634 / _ENTROPY_TEMPERATURE))
    z = jnp.sum(p, axis=1, keepdims=True)
    rz = 1.0 / z
    avgp_ref[...] += jnp.sum(p * rz, axis=0, keepdims=True)
    row_plogp = (jnp.sum(p * u, axis=1, keepdims=True)
                 * (rz * (1.0 / _ENTROPY_TEMPERATURE)) - jnp.log(z))
    sent_ref[...] += jnp.sum(row_plogp, keepdims=True)
    mind_ref[...] += jnp.sum(mind, keepdims=True)

    @pl.when(i == nsteps - 1)
    def _finalize():
        n = float(total_rows)
        avgp = avgp_ref[...] * (1.0 / n)
        avg_ent = -jnp.sum(avgp * jnp.log(avgp + 1e-5), keepdims=True)
        samp_ent = -(sent_ref[...] * (1.0 / n))
        ent = (samp_ent - avg_ent) * _ENTROPY_LOSS_RATIO
        mse = mind_ref[...] * (1.0 / (n * e_dim))
        e = mse * _COMMITMENT_COST
        q = mse
        e_ref[...] = e
        q_ref[...] = q
        ent_ref[...] = ent
        loss_ref[...] = (e + q) + ent


def _vq_stats(xf, cbt):
    m, e_dim = xf.shape
    k = cbt.shape[1]
    nsteps = m // _BLOCK_M
    body = functools.partial(_vq_body, nsteps, m, e_dim)
    scalar = jax.ShapeDtypeStruct((1, 1), jnp.float32)
    scalar_spec = pl.BlockSpec((1, 1), lambda i: (0, 0))
    return pl.pallas_call(
        body,
        grid=(nsteps,),
        in_specs=[
            pl.BlockSpec((_BLOCK_M, e_dim), lambda i: (i, 0)),
            pl.BlockSpec((e_dim, k), lambda i: (0, 0)),
        ],
        out_specs=[
            pl.BlockSpec((_BLOCK_M, 1), lambda i: (i, 0)),
            scalar_spec, scalar_spec, scalar_spec, scalar_spec,
        ],
        out_shape=[
            jax.ShapeDtypeStruct((m, 1), jnp.int32),
            scalar, scalar, scalar, scalar,
        ],
        scratch_shapes=[
            pltpu.VMEM((1, k), jnp.float32),
            pltpu.VMEM((1, k), jnp.float32),
            pltpu.VMEM((1, 1), jnp.float32),
            pltpu.VMEM((1, 1), jnp.float32),
        ],
    )(xf, cbt)


def _sc_gather(table, idx_flat):
    b = idx_flat.shape[0]
    d = table.shape[1]
    nc, ns = 2, 16
    bpw = b // (nc * ns)
    mesh = plsc.VectorSubcoreMesh(core_axis_name="c", subcore_axis_name="s")

    @functools.partial(
        pl.kernel, mesh=mesh,
        out_type=jax.ShapeDtypeStruct((b, d), jnp.float32),
        scratch_types=[
            pltpu.VMEM((bpw,), jnp.int32),
            pltpu.VMEM((bpw, d), jnp.float32),
            pltpu.SemaphoreType.DMA,
        ],
    )
    def k(table_hbm, idx_hbm, out_hbm, idx_v, rows_v, sem):
        wid = lax.axis_index("s") * nc + lax.axis_index("c")
        base = wid * bpw
        pltpu.sync_copy(idx_hbm.at[pl.ds(base, bpw)], idx_v)
        pltpu.async_copy(table_hbm.at[idx_v], rows_v, sem).wait()
        pltpu.sync_copy(rows_v, out_hbm.at[pl.ds(base, bpw)])

    return k(table, idx_flat)


def kernel(x, codebook):
    bsz, tok, e_dim = x.shape
    xf = x.reshape(-1, e_dim)
    cbt = codebook.T
    idx2, e2, q2, ent2, loss2 = _vq_stats(xf, cbt)
    idx_flat = idx2.reshape(-1)
    quant = _sc_gather(codebook, idx_flat)
    return (
        quant.reshape(x.shape),
        loss2[0, 0],
        e2[0, 0],
        q2[0, 0],
        ent2[0, 0],
        idx_flat.reshape(bsz, tok),
    )

# --- scband reference (transcript-rebuilt; emitter-appended) ---
"""Pipeline reference for scband-vector-quantizer-36807869727044 (READ-ONLY COPY).

The authoritative reference and input builder live on the scoring server;
editing this copy changes nothing except your own understanding.
"""

import jax, jax.numpy as jnp
import numpy as np

CODEBOOK_SIZE = 8192
EMB_DIM = 256
COMMITMENT_COST = 0.25
ENTROPY_LOSS_RATIO = 0.1
ENTROPY_TEMPERATURE = 0.01
ENTROPY_LOSS_TYPE = 'softmax'


def squared_euclidean_distance(a, b, b2=None):
    if b2 is None:
        b2 = jnp.sum(b.T ** 2, axis=0, keepdims=True)
    a2 = jnp.sum(a ** 2, axis=1, keepdims=True)
    ab = jnp.matmul(a, b.T)
    return a2 - 2 * ab + b2


def entropy_loss_fn(affinity, loss_type='softmax', temperature=1.0):
    flat_affinity = affinity.reshape(-1, affinity.shape[-1])
    flat_affinity = flat_affinity / temperature
    probs = jax.nn.softmax(flat_affinity, axis=-1)
    log_probs = jax.nn.log_softmax(flat_affinity + 1e-05, axis=-1)
    if loss_type == 'softmax':
        target_probs = probs
    elif loss_type == 'argmax':
        codes = jnp.argmax(flat_affinity, axis=-1)
        onehots = jax.nn.one_hot(codes, flat_affinity.shape[-1], dtype=flat_affinity.dtype)
        onehots = probs - jax.lax.stop_gradient(probs - onehots)
        target_probs = onehots
    else:
        raise ValueError('unsupported')
    avg_probs = jnp.mean(target_probs, axis=0)
    avg_entropy = -jnp.sum(avg_probs * jnp.log(avg_probs + 1e-05))
    sample_entropy = -jnp.mean(jnp.sum(target_probs * log_probs, axis=-1))
    return sample_entropy - avg_entropy


def setup_inputs(seed: int = 0) -> dict:
    key = jax.random.key(seed)
    kx, kc = jax.random.split(key)
    x = jax.random.normal(kx, (8, 576, EMB_DIM), dtype=jnp.float32)
    # variance_scaling(scale=1.0, mode='fan_in', distribution='uniform')
    limit = float(np.sqrt(3.0 * 1.0 / EMB_DIM))
    codebook = jax.random.uniform(kc, (CODEBOOK_SIZE, EMB_DIM), dtype=jnp.float32, minval=-limit, maxval=limit)
    return {"x": x, "codebook": codebook}


def reference(x, codebook):
    sg = jax.lax.stop_gradient
    emb_dim = x.shape[-1]
    distances = jnp.reshape(
        squared_euclidean_distance(jnp.reshape(x, (-1, emb_dim)), codebook),
        x.shape[:-1] + (CODEBOOK_SIZE,))
    encoding_indices = jnp.argmin(distances, axis=-1)
    encoding_onehot = jax.nn.one_hot(encoding_indices, CODEBOOK_SIZE, dtype=x.dtype)
    quantized = jnp.dot(encoding_onehot, codebook)
    e_latent_loss = jnp.mean((sg(quantized) - x) ** 2) * COMMITMENT_COST
    q_latent_loss = jnp.mean((quantized - sg(x)) ** 2)
    entropy_loss = entropy_loss_fn(-distances, loss_type=ENTROPY_LOSS_TYPE, temperature=ENTROPY_TEMPERATURE) * ENTROPY_LOSS_RATIO
    e_latent_loss = jnp.asarray(e_latent_loss, jnp.float32)
    q_latent_loss = jnp.asarray(q_latent_loss, jnp.float32)
    entropy_loss = jnp.asarray(entropy_loss, jnp.float32)
    loss = e_latent_loss + q_latent_loss + entropy_loss
    quantized = x + sg(quantized - x)
    return (quantized, loss, e_latent_loss, q_latent_loss, entropy_loss, encoding_indices)

if __name__ == "__main__":
    import jax
    _d = setup_inputs()
    print(jax.jit(kernel)(*tuple(_d.values())))

</pallas_src>

<mosaic_0001>
#map = affine_map<(d0, d1) -> (0, 0)>
#map1 = affine_map<(d0, d1) -> (0)>
module attributes {stable_mosaic.version = 14 : i64} {
  func.func @k(%arg0: i32, %arg1: i32, %arg2: memref<8192x256xf32, #tpu.memory_space<hbm>>, %arg3: memref<4608xi32, #tpu.memory_space<hbm>>, %arg4: memref<4608x256xf32, #tpu.memory_space<hbm>>, %arg5: memref<144xi32, #tpu.memory_space<vmem>>, %arg6: memref<144x256xf32, #tpu.memory_space<vmem>>, %arg7: memref<!tpu.dma_semaphore, #tpu.memory_space<semaphore_mem>>) attributes {dimension_semantics = [#tpu.dimension_semantics<core_parallel>, #tpu.dimension_semantics<subcore_parallel>], iteration_bounds = array<i64: 2, 16>, scalar_prefetch = 0 : i64, scratch_operands = 3 : i64, tpu.core_type = #tpu.core_type<sc_vector_subcore>, window_params = [{transform_indices = #map}, {transform_indices = #map1}, {transform_indices = #map}]} {
    %mul3A = arith.constant 2 : i32
    %mul3A_0 = arith.muli %arg1, %mul3A : i32
    %add3A = arith.addi %mul3A_0, %arg0 : i32
    %mul3A_1 = arith.constant 144 : i32
    %mul3A_2 = arith.muli %add3A, %mul3A_1 : i32
    "tpu.region"() ({
      %run_scoped3A = tpu.sem_alloc : memref<!tpu.dma_semaphore, #tpu.memory_space<semaphore_mem>>
      %dma_start3A_7 = tpu.memref_slice %arg3[%mul3A_2] : memref<4608xi32, #tpu.memory_space<hbm>> -> memref<144xi32, #tpu.memory_space<hbm>>
      %dma_start3A_8 = tpu.memref_slice %arg3[%mul3A_2] : memref<4608xi32, #tpu.memory_space<hbm>> -> memref<144xi32, #tpu.memory_space<hbm>>
      tpu.enqueue_dma source(%dma_start3A_8 : memref<144xi32, #tpu.memory_space<hbm>>) target(%arg5 : memref<144xi32, #tpu.memory_space<vmem>>) target_semaphore(%run_scoped3A : memref<!tpu.dma_semaphore, #tpu.memory_space<semaphore_mem>>)
      %dma_wait3A_9 = tpu.memref_slice %arg3[%mul3A_2] : memref<4608xi32, #tpu.memory_space<hbm>> -> memref<144xi32, #tpu.memory_space<hbm>>
      %dma_wait3A_10 = tpu.memref_slice %arg3[%mul3A_2] : memref<4608xi32, #tpu.memory_space<hbm>> -> memref<144xi32, #tpu.memory_space<hbm>>
      tpu.wait_dma2 semaphore(%run_scoped3A : memref<!tpu.dma_semaphore, #tpu.memory_space<semaphore_mem>>) src(%dma_wait3A_10 : memref<144xi32, #tpu.memory_space<hbm>>) dst(%arg5 : memref<144xi32, #tpu.memory_space<vmem>>)
      tpu.yield
    }) : () -> ()
    %dma_start3A = arith.constant 0 : i32
    %dma_start3A_3 = arith.constant 0 : i32
    %dma_start3A_4 = tpu.memref_slice %arg2[%dma_start3A, %dma_start3A_3] : memref<8192x256xf32, #tpu.memory_space<hbm>> -> memref<8192x256xf32, #tpu.memory_space<hbm>>
    tpu.enqueue_indirect_dma source(%dma_start3A_4 : memref<8192x256xf32, #tpu.memory_space<hbm>>) target(%arg6 : memref<144x256xf32, #tpu.memory_space<vmem>>) offsets(%arg5 : memref<144xi32, #tpu.memory_space<vmem>>) semaphore(%arg7 : memref<!tpu.dma_semaphore, #tpu.memory_space<semaphore_mem>>)
    %dma_wait3A = arith.constant 0 : i32
    %dma_wait3A_5 = arith.constant 0 : i32
    %dma_wait3A_6 = tpu.memref_slice %arg2[%dma_wait3A, %dma_wait3A_5] : memref<8192x256xf32, #tpu.memory_space<hbm>> -> memref<8192x256xf32, #tpu.memory_space<hbm>>
    tpu.wait_indirect_dma semaphore(%arg7 : memref<!tpu.dma_semaphore, #tpu.memory_space<semaphore_mem>>) src(%dma_wait3A_6 : memref<8192x256xf32, #tpu.memory_space<hbm>>) dst(%arg6 : memref<144x256xf32, #tpu.memory_space<vmem>>)
    "tpu.region"() ({
      %run_scoped3A = tpu.sem_alloc : memref<!tpu.dma_semaphore, #tpu.memory_space<semaphore_mem>>
      %dma_start3A_7 = arith.constant 0 : i32
      %dma_start3A_8 = tpu.memref_slice %arg4[%mul3A_2, %dma_start3A_7] : memref<4608x256xf32, #tpu.memory_space<hbm>> -> memref<144x256xf32, #tpu.memory_space<hbm>>
      %dma_start3A_9 = arith.constant 0 : i32
      %dma_start3A_10 = tpu.memref_slice %arg4[%mul3A_2, %dma_start3A_9] : memref<4608x256xf32, #tpu.memory_space<hbm>> -> memref<144x256xf32, #tpu.memory_space<hbm>>
      tpu.enqueue_dma source(%arg6 : memref<144x256xf32, #tpu.memory_space<vmem>>) target(%dma_start3A_10 : memref<144x256xf32, #tpu.memory_space<hbm>>) target_semaphore(%run_scoped3A : memref<!tpu.dma_semaphore, #tpu.memory_space<semaphore_mem>>)
      %dma_wait3A_11 = arith.constant 0 : i32
      %dma_wait3A_12 = tpu.memref_slice %arg4[%mul3A_2, %dma_wait3A_11] : memref<4608x256xf32, #tpu.memory_space<hbm>> -> memref<144x256xf32, #tpu.memory_space<hbm>>
      %dma_wait3A_13 = arith.constant 0 : i32
      %dma_wait3A_14 = tpu.memref_slice %arg4[%mul3A_2, %dma_wait3A_13] : memref<4608x256xf32, #tpu.memory_space<hbm>> -> memref<144x256xf32, #tpu.memory_space<hbm>>
      tpu.wait_dma2 semaphore(%run_scoped3A : memref<!tpu.dma_semaphore, #tpu.memory_space<semaphore_mem>>) src(%arg6 : memref<144x256xf32, #tpu.memory_space<vmem>>) dst(%dma_wait3A_14 : memref<144x256xf32, #tpu.memory_space<hbm>>)
      tpu.yield
    }) : () -> ()
    return
  }
}

module attributes {stable_mosaic.version = 14 : i64} {
  func.func @_vq_body(%arg0: i32, %arg1: memref<256x256xf32, #tpu.memory_space<vmem>>, %arg2: memref<256x8192xf32, #tpu.memory_space<vmem>>, %arg3: memref<256x1xi32, #tpu.memory_space<vmem>>, %arg4: memref<1x1xf32, #tpu.memory_space<vmem>>, %arg5: memref<1x1xf32, #tpu.memory_space<vmem>>, %arg6: memref<1x1xf32, #tpu.memory_space<vmem>>, %arg7: memref<1x1xf32, #tpu.memory_space<vmem>>, %arg8: memref<1x8192xf32, #tpu.memory_space<vmem>>, %arg9: memref<1x8192xf32, #tpu.memory_space<vmem>>, %arg10: memref<1x1xf32, #tpu.memory_space<vmem>>, %arg11: memref<1x1xf32, #tpu.memory_space<vmem>>) attributes {dimension_semantics = [#tpu.dimension_semantics<arbitrary>], iteration_bounds = array<i64: 18>, scalar_prefetch = 0 : i64, scratch_operands = 4 : i64, tpu.core_type = #tpu.core_type<tc>, window_params = [{transform_indices = @transform_0, window_bounds = array<i64: 256, 256>}, {pipeline_mode = #tpu.pipeline_mode<synchronous>, transform_indices = @transform_1, window_bounds = array<i64: 256, 8192>}, {transform_indices = @transform_2, window_bounds = array<i64: 256, 1>}, {pipeline_mode = #tpu.pipeline_mode<synchronous>, transform_indices = @transform_3, window_bounds = array<i64: 1, 1>}, {pipeline_mode = #tpu.pipeline_mode<synchronous>, transform_indices = @transform_4, window_bounds = array<i64: 1, 1>}, {pipeline_mode = #tpu.pipeline_mode<synchronous>, transform_indices = @transform_5, window_bounds = array<i64: 1, 1>}, {pipeline_mode = #tpu.pipeline_mode<synchronous>, transform_indices = @transform_6, window_bounds = array<i64: 1, 1>}]} {
    %eq3A = arith.constant 0 : i32
    %eq3A_0 = arith.cmpi eq, %arg0, %eq3A : i32
    %convert_element_type3A = arith.extui %eq3A_0 : i1 to i32
    %cond3A = arith.constant 0 : i32
    %cond3A_1 = arith.cmpi ne, %convert_element_type3A, %cond3A : i32
    scf.if %cond3A_1 {
      %get3A_89 = arith.constant 0 : index
      %get3A_90 = arith.constant 0 : index
      %get3A_91 = vector.load %arg2[%get3A_89, %get3A_90] : memref<256x8192xf32, #tpu.memory_space<vmem>>, vector<256x8192xf32>
      %mul3A_92 = arith.mulf %get3A_91, %get3A_91 : vector<256x8192xf32>
      %reduce_sum3A_93 = arith.constant dense<0.000000e+00> : vector<8192xf32>
      %reduce_sum3A_94 = vector.multi_reduction <add>, %mul3A_92, %reduce_sum3A_93 [0] : vector<256x8192xf32> to vector<8192xf32>
      %broadcast_in_dim3A_95 = vector.shape_cast %reduce_sum3A_94 : vector<8192xf32> to vector<1x8192xf32>
      %swap3A_96 = arith.constant 0 : index
      %swap3A_97 = arith.constant 0 : index
      %swap3A_98 = vector.load %arg8[%swap3A_96, %swap3A_97] : memref<1x8192xf32, #tpu.memory_space<vmem>>, vector<1x8192xf32>
      tpu.vector_store %arg8[%swap3A_96, %swap3A_97], %broadcast_in_dim3A_95 {strides = array<i32>} : memref<1x8192xf32, #tpu.memory_space<vmem>>, vector<1x8192xf32>,
      %broadcast_in_dim3A_99 = arith.constant 0.000000e+00 : f32
      %broadcast_in_dim3A_100 = vector.broadcast %broadcast_in_dim3A_99 : f32 to vector<1x8192xf32>
      %swap3A_101 = arith.constant 0 : index
      %swap3A_102 = arith.constant 0 : index
      %swap3A_103 = vector.load %arg9[%swap3A_101, %swap3A_102] : memref<1x8192xf32, #tpu.memory_space<vmem>>, vector<1x8192xf32>
      tpu.vector_store %arg9[%swap3A_101, %swap3A_102], %broadcast_in_dim3A_100 {strides = array<i32>} : memref<1x8192xf32, #tpu.memory_space<vmem>>, vector<1x8192xf32>,
      %broadcast_in_dim3A_104 = arith.constant 0.000000e+00 : f32
      %broadcast_in_dim3A_105 = vector.broadcast %broadcast_in_dim3A_104 : f32 to vector<1x1xf32>
      %swap3A_106 = arith.constant 0 : index
      %swap3A_107 = arith.constant 0 : index
      %swap3A_108 = vector.load %arg10[%swap3A_106, %swap3A_107] : memref<1x1xf32, #tpu.memory_space<vmem>>, vector<1x1xf32>
      tpu.vector_store %arg10[%swap3A_106, %swap3A_107], %broadcast_in_dim3A_105 {strides = array<i32>} : memref<1x1xf32, #tpu.memory_space<vmem>>, vector<1x1xf32>,
      %broadcast_in_dim3A_109 = arith.constant 0.000000e+00 : f32
      %broadcast_in_dim3A_110 = vector.broadcast %broadcast_in_dim3A_109 : f32 to vector<1x1xf32>
      %swap3A_111 = arith.constant 0 : index
      %swap3A_112 = arith.constant 0 : index
      %swap3A_113 = vector.load %arg11[%swap3A_111, %swap3A_112] : memref<1x1xf32, #tpu.memory_space<vmem>>, vector<1x1xf32>
      tpu.vector_store %arg11[%swap3A_111, %swap3A_112], %broadcast_in_dim3A_110 {strides = array<i32>} : memref<1x1xf32, #tpu.memory_space<vmem>>, vector<1x1xf32>,
    } else {
    }
    %get3A = arith.constant 0 : index
    %get3A_2 = arith.constant 0 : index
    %get3A_3 = vector.load %arg1[%get3A, %get3A_2] : memref<256x256xf32, #tpu.memory_space<vmem>>, vector<256x256xf32>
    %mul3A = arith.mulf %get3A_3, %get3A_3 : vector<256x256xf32>
    %reduce_sum3A = arith.constant dense<0.000000e+00> : vector<256xf32>
    %reduce_sum3A_4 = vector.multi_reduction <add>, %mul3A, %reduce_sum3A [1] : vector<256x256xf32> to vector<256xf32>
    %broadcast_in_dim3A = vector.shape_cast %reduce_sum3A_4 : vector<256xf32> to vector<256x1xf32>
    %get3A_5 = arith.constant 0 : index
    %get3A_6 = arith.constant 0 : index
    %get3A_7 = vector.load %arg2[%get3A_5, %get3A_6] : memref<256x8192xf32, #tpu.memory_space<vmem>>, vector<256x8192xf32>
    %dot_general3A = arith.constant dense<0.000000e+00> : vector<256x8192xf32>
    %dot_general3A_8 = tpu.matmul %get3A_3, %get3A_7, %dot_general3A {dimension_numbers = #tpu.dot_dimension_numbers<[1], [0], [0], [1], [0, 0, 1, 1], [], []>, transpose_lhs_hint = false} : vector<256x256xf32>, vector<256x8192xf32>, vector<256x8192xf32> -> vector<256x8192xf32>
    %mul3A_9 = arith.constant 2.000000e+00 : f32
    %mul3A_10 = vector.broadcast %mul3A_9 : f32 to vector<256x8192xf32>
    %mul3A_11 = arith.mulf %mul3A_10, %dot_general3A_8 : vector<256x8192xf32>
    %sub3A = vector.broadcast %broadcast_in_dim3A : vector<256x1xf32> to vector<256x8192xf32>
    %sub3A_12 = arith.subf %sub3A, %mul3A_11 : vector<256x8192xf32>
    %get3A_13 = arith.constant 0 : index
    %get3A_14 = arith.constant 0 : index
    %get3A_15 = vector.load %arg8[%get3A_13, %get3A_14] : memref<1x8192xf32, #tpu.memory_space<vmem>>, vector<1x8192xf32>
    %add3A = vector.broadcast %get3A_15 : vector<1x8192xf32> to vector<256x8192xf32>
    %add3A_16 = arith.addf %sub3A_12, %add3A : vector<256x8192xf32>
    %reduce_min3A = arith.constant dense<0x7F800000> : vector<256xf32>
    %reduce_min3A_17 = vector.multi_reduction <minimumf>, %add3A_16, %reduce_min3A [1] : vector<256x8192xf32> to vector<256xf32>
    %broadcast_in_dim3A_18 = vector.shape_cast %reduce_min3A_17 : vector<256xf32> to vector<256x1xf32>
    %iota3A = tpu.iota {dimensions = array<i32: 1>} : vector<256x8192xi32>
    %eq3A_19 = vector.broadcast %broadcast_in_dim3A_18 : vector<256x1xf32> to vector<256x8192xf32>
    %eq3A_20 = arith.cmpf oeq, %add3A_16, %eq3A_19 : vector<256x8192xf32>
    %jit3A = arith.constant 8192 : i32
    %broadcast_in_dim3A_21 = vector.broadcast %jit3A : i32 to vector<256x8192xi32>
    %select_n3A = arith.select %eq3A_20, %iota3A, %broadcast_in_dim3A_21 : vector<256x8192xi1>, vector<256x8192xi32>
    %reduce_min3A_22 = arith.constant dense<2147483647> : vector<256xi32>
    %reduce_min3A_23 = vector.multi_reduction <minsi>, %select_n3A, %reduce_min3A_22 [1] : vector<256x8192xi32> to vector<256xi32>
    %broadcast_in_dim3A_24 = vector.shape_cast %reduce_min3A_23 : vector<256xi32> to vector<256x1xi32>
    %swap3A = arith.constant 0 : index
    %swap3A_25 = arith.constant 0 : index
    %swap3A_26 = vector.load %arg3[%swap3A, %swap3A_25] : memref<256x1xi32, #tpu.memory_space<vmem>>, vector<256x1xi32>
    tpu.vector_store %arg3[%swap3A, %swap3A_25], %broadcast_in_dim3A_24 {strides = array<i32>} : memref<256x1xi32, #tpu.memory_space<vmem>>, vector<256x1xi32>,
    %sub3A_27 = vector.broadcast %broadcast_in_dim3A_18 : vector<256x1xf32> to vector<256x8192xf32>
    %sub3A_28 = arith.subf %sub3A_27, %add3A_16 : vector<256x8192xf32>
    %mul3A_29 = arith.constant 144.269501 : f32
    %mul3A_30 = vector.broadcast %mul3A_29 : f32 to vector<256x8192xf32>
    %mul3A_31 = arith.mulf %sub3A_28, %mul3A_30 : vector<256x8192xf32>
    %exp23A = math.exp2 %mul3A_31 : vector<256x8192xf32>
    %reduce_sum3A_32 = arith.constant dense<0.000000e+00> : vector<256xf32>
    %reduce_sum3A_33 = vector.multi_reduction <add>, %exp23A, %reduce_sum3A_32 [1] : vector<256x8192xf32> to vector<256xf32>
    %broadcast_in_dim3A_34 = vector.shape_cast %reduce_sum3A_33 : vector<256xf32> to vector<256x1xf32>
    %div3A = arith.constant 1.000000e+00 : f32
    %div3A_35 = vector.broadcast %div3A : f32 to vector<256x1xf32>
    %div3A_36 = arith.divf %div3A_35, %broadcast_in_dim3A_34 : vector<256x1xf32>
    %get3A_37 = arith.constant 0 : index
    %get3A_38 = arith.constant 0 : index
    %get3A_39 = vector.load %arg9[%get3A_37, %get3A_38] : memref<1x8192xf32, #tpu.memory_space<vmem>>, vector<1x8192xf32>
    %mul3A_40 = vector.broadcast %div3A_36 : vector<256x1xf32> to vector<256x8192xf32>
    %mul3A_41 = arith.mulf %exp23A, %mul3A_40 : vector<256x8192xf32>
    %reduce_sum3A_42 = arith.constant dense<0.000000e+00> : vector<8192xf32>
    %reduce_sum3A_43 = vector.multi_reduction <add>, %mul3A_41, %reduce_sum3A_42 [0] : vector<256x8192xf32> to vector<8192xf32>
    %broadcast_in_dim3A_44 = vector.shape_cast %reduce_sum3A_43 : vector<8192xf32> to vector<1x8192xf32>
    %add3A_45 = arith.addf %get3A_39, %broadcast_in_dim3A_44 : vector<1x8192xf32>
    %swap3A_46 = arith.constant 0 : index
    %swap3A_47 = arith.constant 0 : index
    %swap3A_48 = vector.load %arg9[%swap3A_46, %swap3A_47] : memref<1x8192xf32, #tpu.memory_space<vmem>>, vector<1x8192xf32>
    tpu.vector_store %arg9[%swap3A_46, %swap3A_47], %add3A_45 {strides = array<i32>} : memref<1x8192xf32, #tpu.memory_space<vmem>>, vector<1x8192xf32>,
    %mul3A_49 = arith.mulf %exp23A, %sub3A_28 : vector<256x8192xf32>
    %reduce_sum3A_50 = arith.constant dense<0.000000e+00> : vector<256xf32>
    %reduce_sum3A_51 = vector.multi_reduction <add>, %mul3A_49, %reduce_sum3A_50 [1] : vector<256x8192xf32> to vector<256xf32>
    %broadcast_in_dim3A_52 = vector.shape_cast %reduce_sum3A_51 : vector<256xf32> to vector<256x1xf32>
    %mul3A_53 = arith.constant 1.000000e+02 : f32
    %mul3A_54 = vector.broadcast %mul3A_53 : f32 to vector<256x1xf32>
    %mul3A_55 = arith.mulf %div3A_36, %mul3A_54 : vector<256x1xf32>
    %mul3A_56 = arith.mulf %broadcast_in_dim3A_52, %mul3A_55 : vector<256x1xf32>
    %log3A = math.log %broadcast_in_dim3A_34 : vector<256x1xf32>
    %sub3A_57 = arith.subf %mul3A_56, %log3A : vector<256x1xf32>
    %get3A_58 = arith.constant 0 : index
    %get3A_59 = arith.constant 0 : index
    %get3A_60 = vector.load %arg10[%get3A_58, %get3A_59] : memref<1x1xf32, #tpu.memory_space<vmem>>, vector<1x1xf32>
    %reduce_sum3A_61 = vector.shape_cast %sub3A_57 : vector<256x1xf32> to vector<1x256x1xf32>
    %reduce_sum3A_62 = arith.constant dense<0.000000e+00> : vector<1xf32>
    %reduce_sum3A_63 = vector.multi_reduction <add>, %reduce_sum3A_61, %reduce_sum3A_62 [1, 2] : vector<1x256x1xf32> to vector<1xf32>
    %reduce_sum3A_64 = vector.shape_cast %reduce_sum3A_63 : vector<1xf32> to vector<1x1x1xf32>
    %reduce_sum3A_65 = vector.extract %reduce_sum3A_64[0, 0, 0] : f32 from vector<1x1x1xf32>
    %broadcast_in_dim3A_66 = vector.broadcast %reduce_sum3A_65 : f32 to vector<1x1xf32>
    %add3A_67 = arith.addf %get3A_60, %broadcast_in_dim3A_66 : vector<1x1xf32>
    %swap3A_68 = arith.constant 0 : index
    %swap3A_69 = arith.constant 0 : index
    %swap3A_70 = vector.load %arg10[%swap3A_68, %swap3A_69] : memref<1x1xf32, #tpu.memory_space<vmem>>, vector<1x1xf32>
    tpu.vector_store %arg10[%swap3A_68, %swap3A_69], %add3A_67 {strides = array<i32>} : memref<1x1xf32, #tpu.memory_space<vmem>>, vector<1x1xf32>,
    %get3A_71 = arith.constant 0 : index
    %get3A_72 = arith.constant 0 : index
    %get3A_73 = vector.load %arg11[%get3A_71, %get3A_72] : memref<1x1xf32, #tpu.memory_space<vmem>>, vector<1x1xf32>
    %reduce_sum3A_74 = vector.shape_cast %broadcast_in_dim3A_18 : vector<256x1xf32> to vector<1x256x1xf32>
    %reduce_sum3A_75 = arith.constant dense<0.000000e+00> : vector<1xf32>
    %reduce_sum3A_76 = vector.multi_reduction <add>, %reduce_sum3A_74, %reduce_sum3A_75 [1, 2] : vector<1x256x1xf32> to vector<1xf32>
    %reduce_sum3A_77 = vector.shape_cast %reduce_sum3A_76 : vector<1xf32> to vector<1x1x1xf32>
    %reduce_sum3A_78 = vector.extract %reduce_sum3A_77[0, 0, 0] : f32 from vector<1x1x1xf32>
    %broadcast_in_dim3A_79 = vector.broadcast %reduce_sum3A_78 : f32 to vector<1x1xf32>
    %add3A_80 = arith.addf %get3A_73, %broadcast_in_dim3A_79 : vector<1x1xf32>
    %swap3A_81 = arith.constant 0 : index
    %swap3A_82 = arith.constant 0 : index
    %swap3A_83 = vector.load %arg11[%swap3A_81, %swap3A_82] : memref<1x1xf32, #tpu.memory_space<vmem>>, vector<1x1xf32>
    tpu.vector_store %arg11[%swap3A_81, %swap3A_82], %add3A_80 {strides = array<i32>} : memref<1x1xf32, #tpu.memory_space<vmem>>, vector<1x1xf32>,
    %eq3A_84 = arith.constant 17 : i32
    %eq3A_85 = arith.cmpi eq, %arg0, %eq3A_84 : i32
    %convert_element_type3A_86 = arith.extui %eq3A_85 : i1 to i32
    %cond3A_87 = arith.constant 0 : i32
    %cond3A_88 = arith.cmpi ne, %convert_element_type3A_86, %cond3A_87 : i32
    scf.if %cond3A_88 {
      %get3A_89 = arith.constant 0 : index
      %get3A_90 = arith.constant 0 : index
      %get3A_91 = vector.load %arg9[%get3A_89, %get3A_90] : memref<1x8192xf32, #tpu.memory_space<vmem>>, vector<1x8192xf32>
      %mul3A_92 = arith.constant 2.17013891E-4 : f32
      %mul3A_93 = vector.broadcast %mul3A_92 : f32 to vector<1x8192xf32>
      %mul3A_94 = arith.mulf %get3A_91, %mul3A_93 : vector<1x8192xf32>
      %add3A_95 = arith.constant 9.99999974E-6 : f32
      %add3A_96 = vector.broadcast %add3A_95 : f32 to vector<1x8192xf32>
      %add3A_97 = arith.addf %mul3A_94, %add3A_96 : vector<1x8192xf32>
      %log3A_98 = math.log %add3A_97 : vector<1x8192xf32>
      %mul3A_99 = arith.mulf %mul3A_94, %log3A_98 : vector<1x8192xf32>
      %reduce_sum3A_100 = vector.shape_cast %mul3A_99 : vector<1x8192xf32> to vector<1x1x8192xf32>
      %reduce_sum3A_101 = arith.constant dense<0.000000e+00> : vector<1xf32>
      %reduce_sum3A_102 = vector.multi_reduction <add>, %reduce_sum3A_100, %reduce_sum3A_101 [1, 2] : vector<1x1x8192xf32> to vector<1xf32>
      %reduce_sum3A_103 = vector.shape_cast %reduce_sum3A_102 : vector<1xf32> to vector<1x1x1xf32>
      %reduce_sum3A_104 = vector.extract %reduce_sum3A_103[0, 0, 0] : f32 from vector<1x1x1xf32>
      %broadcast_in_dim3A_105 = vector.broadcast %reduce_sum3A_104 : f32 to vector<1x1xf32>
      %neg3A = arith.constant 0.000000e+00 : f32
      %neg3A_106 = vector.broadcast %neg3A : f32 to vector<1x1xf32>
      %neg3A_107 = arith.subf %neg3A_106, %broadcast_in_dim3A_105 : vector<1x1xf32>
      %get3A_108 = arith.constant 0 : index
      %get3A_109 = arith.constant 0 : index
      %get3A_110 = vector.load %arg10[%get3A_108, %get3A_109] : memref<1x1xf32, #tpu.memory_space<vmem>>, vector<1x1xf32>
      %mul3A_111 = arith.constant 2.17013891E-4 : f32
      %mul3A_112 = vector.broadcast %mul3A_111 : f32 to vector<1x1xf32>
      %mul3A_113 = arith.mulf %get3A_110, %mul3A_112 : vector<1x1xf32>
      %neg3A_114 = arith.constant 0.000000e+00 : f32
      %neg3A_115 = vector.broadcast %neg3A_114 : f32 to vector<1x1xf32>
      %neg3A_116 = arith.subf %neg3A_115, %mul3A_113 : vector<1x1xf32>
      %sub3A_117 = arith.subf %neg3A_116, %neg3A_107 : vector<1x1xf32>
      %mul3A_118 = arith.constant 1.000000e-01 : f32
      %mul3A_119 = vector.broadcast %mul3A_118 : f32 to vector<1x1xf32>
      %mul3A_120 = arith.mulf %sub3A_117, %mul3A_119 : vector<1x1xf32>
      %get3A_121 = arith.constant 0 : index
      %get3A_122 = arith.constant 0 : index
      %get3A_123 = vector.load %arg11[%get3A_121, %get3A_122] : memref<1x1xf32, #tpu.memory_space<vmem>>, vector<1x1xf32>
      %mul3A_124 = arith.constant 8.4771051E-7 : f32
      %mul3A_125 = vector.broadcast %mul3A_124 : f32 to vector<1x1xf32>
      %mul3A_126 = arith.mulf %get3A_123, %mul3A_125 : vector<1x1xf32>
      %mul3A_127 = arith.constant 2.500000e-01 : f32
      %mul3A_128 = vector.broadcast %mul3A_127 : f32 to vector<1x1xf32>
      %mul3A_129 = arith.mulf %mul3A_126, %mul3A_128 : vector<1x1xf32>
      %swap3A_130 = arith.constant 0 : index
      %swap3A_131 = arith.constant 0 : index
      %swap3A_132 = vector.load %arg4[%swap3A_130, %swap3A_131] : memref<1x1xf32, #tpu.memory_space<vmem>>, vector<1x1xf32>
      tpu.vector_store %arg4[%swap3A_130, %swap3A_131], %mul3A_129 {strides = array<i32>} : memref<1x1xf32, #tpu.memory_space<vmem>>, vector<1x1xf32>,
      %swap3A_133 = arith.constant 0 : index
      %swap3A_134 = arith.constant 0 : index
      %swap3A_135 = vector.load %arg5[%swap3A_133, %swap3A_134] : memref<1x1xf32, #tpu.memory_space<vmem>>, vector<1x1xf32>
      tpu.vector_store %arg5[%swap3A_133, %swap3A_134], %mul3A_126 {strides = array<i32>} : memref<1x1xf32, #tpu.memory_space<vmem>>, vector<1x1xf32>,
      %swap3A_136 = arith.constant 0 : index
      %swap3A_137 = arith.constant 0 : index
      %swap3A_138 = vector.load %arg6[%swap3A_136, %swap3A_137] : memref<1x1xf32, #tpu.memory_space<vmem>>, vector<1x1xf32>
      tpu.vector_store %arg6[%swap3A_136, %swap3A_137], %mul3A_120 {strides = array<i32>} : memref<1x1xf32, #tpu.memory_space<vmem>>, vector<1x1xf32>,
      %add3A_139 = arith.addf %mul3A_129, %mul3A_126 : vector<1x1xf32>
      %add3A_140 = arith.addf %add3A_139, %mul3A_120 : vector<1x1xf32>
      %swap3A_141 = arith.constant 0 : index
      %swap3A_142 = arith.constant 0 : index
      %swap3A_143 = vector.load %arg7[%swap3A_141, %swap3A_142] : memref<1x1xf32, #tpu.memory_space<vmem>>, vector<1x1xf32>
      tpu.vector_store %arg7[%swap3A_141, %swap3A_142], %add3A_140 {strides = array<i32>} : memref<1x1xf32, #tpu.memory_space<vmem>>, vector<1x1xf32>,
    } else {
    }
    return
  }
  func.func @transform_0(%arg0: i32) -> (i32, i32) {
    %c0_i32 = arith.constant 0 : i32
    %c0_i32_0 = arith.constant 0 : i32
    return %arg0, %c0_i32 : i32, i32
  }
  func.func @transform_1(%arg0: i32) -> (i32, i32) {
    %c0_i32 = arith.constant 0 : i32
    %c0_i32_0 = arith.constant 0 : i32
    %c0_i32_1 = arith.constant 0 : i32
    return %c0_i32, %c0_i32_0 : i32, i32
  }
  func.func @transform_2(%arg0: i32) -> (i32, i32) {
    %c0_i32 = arith.constant 0 : i32
    %c0_i32_0 = arith.constant 0 : i32
    return %arg0, %c0_i32 : i32, i32
  }
  func.func @transform_3(%arg0: i32) -> (i32, i32) {
    %c0_i32 = arith.constant 0 : i32
    %c0_i32_0 = arith.constant 0 : i32
    %c0_i32_1 = arith.constant 0 : i32
    return %c0_i32, %c0_i32_0 : i32, i32
  }
  func.func @transform_4(%arg0: i32) -> (i32, i32) {
    %c0_i32 = arith.constant 0 : i32
    %c0_i32_0 = arith.constant 0 : i32
    %c0_i32_1 = arith.constant 0 : i32
    return %c0_i32, %c0_i32_0 : i32, i32
  }
  func.func @transform_5(%arg0: i32) -> (i32, i32) {
    %c0_i32 = arith.constant 0 : i32
    %c0_i32_0 = arith.constant 0 : i32
    %c0_i32_1 = arith.constant 0 : i32
    return %c0_i32, %c0_i32_0 : i32, i32
  }
  func.func @transform_6(%arg0: i32) -> (i32, i32) {
    %c0_i32 = arith.constant 0 : i32
    %c0_i32_0 = arith.constant 0 : i32
    %c0_i32_1 = arith.constant 0 : i32
    return %c0_i32, %c0_i32_0 : i32, i32
  }
}

</mosaic_0001>

<sc_bundles>
// kernel: kernel.4.cloned.1.call-start
scs
__scs_entry_jumppad:
0x0: {  	(pc) =	sbr.rel $0x88, $3  }
0x1: {  	(tag) =	ssettag $0x0;
	lr =	simm.s32 $0x1  }
0x2: {  	[smem:$0x3F9F] =	sst lr;
	_ =	strace $0xD0000000  }
0x3: {  	_ = 	snop  }
0x4: {  	_ = 	snop  }
0x5: {  	_ = 	snop  }
0x6: {  	_ = 	snop  }
0x7: {  	_ = 	snop  }
__scs_overlays_trampoline_lowered:
0x8: {  	[smem:$0x3FAE] =	sst s0  }
0x9: {  	[smem:$0x3FAF] =	sst s1  }
0xa: {  	[smem:$0x3FB0] =	sst s2  }
0xb: {  	[smem:$0x3FB1] =	sst s3  }
0xc: {  	[smem:$0x3FB2] =	sst s4  }
0xd: {  	[smem:$0x3FB3] =	sst s5  }
0xe: {  	[smem:$0x3FB4] =	sst s6  }
0xf: {  	[smem:$0x3FB5] =	sst s7  }
0x10: {  	[smem:$0x3FB6] =	sst s8  }
0x11: {  	[smem:$0x3FB7] =	sst s9;
	s0 =	simm.s32 @!p0 $0x0  }
0x12: {  	s1 =	sld [smem:$0x3F9D];
	s0 =	simm.s32 @p0 $0x1  }
0x13: {  	[smem:$0x3FB8] =	sst s0;
	s0 =	simm.s32 @!p1 $0x0  }
0x14: {  	s2 =	sld [smem:$0x3F9C];
	s0 =	simm.s32 @p1 $0x1  }
0x15: {  	[smem:$0x3FB9] =	sst s0;
	s0 =	simm.s32 @!p2 $0x0  }
0x16: {  	s3 =	sld [smem:$0x3FDB];
	s0 =	simm.s32 @p2 $0x1  }
0x17: {  	s4 =	simm.s32 $0x1BF5;
	[smem:$0x3FBB] =	sst s0  }
0x18: {  	s0 =	sld [smem:$0x3F9E];
	_ =	swait.ge [sflag:s4], $0x0  }
0x19: {  	s7 =	sld [smem:$0x3F9F]  }
0x1a: {  	s8 =	sadd.s32 $0xFFFFE003, lr  }
0x1b: {  	s9 =	sadd.s32 $0xFFFFFEF7, lr;
	s5 =	simm.s32 $0xFFFFFFFF;
	p2 =	slt.u32 s8, $0xFFFFF086  }
0x1c: {  	p1 =	slt.u32 s9, $0xF7A;
	s5 =	simm.s32 @!p2 $0x0  }
0x1d: {  	s5 =	simm.s32 @p1 $0x1;
	p0 =	seq.s32 s7, s2  }
0x1e: {  	s7 =	smul.u32 @!p0 $0xF7A, s2;
	p2 =	seq.s32 @!p0 s5, $0x0  }
0x1f: {  	s9 =	smul.u32 $0xF7A, s1;
	s8 =	simm.s32 @!p0 $0x1BF5;
	p2 =	por !p2, p0  }
0x20: {  	[sflag:s8] =	ssyncset.s32 @!p0 $0xFFFFF086;
	s6 =	sadd.s32 @!p0 s3, s7;
	s7 =	simm.s32 @!p0 $0x108  }
0x21: {  	s3 =	sadd.s32 s3, s9;
	s6 =	sadd.s32 @!p0 $0x88, s6;
	s7 =	simm.s32 @p2 $0x1082  }
0x22: {  	[simem:s7], [sflag:s8] =	dma.local @!p0 [hbm:s6], $0xF7A  }
0x23: {  	s9 =	sor.u32 $0xD0000000, s2;
	s6 =	simm.s32 $0x108;
	_ =	swait.ge @!p0 [sflag:s8], $0x0  }
0x24: {  	s3 =	sadd.s32 $0x88, s3;
	s6 =	simm.s32 @!p1 $0x1082;
	[sflag:s4] =	ssyncset.s32 $0xFFFFF086  }
0x25: {  	[simem:s6], [sflag:s4] =	dma.local [hbm:s3], $0xF7A  }
0x26: {  	[smem:$0x3F9F] =	sst s1;
	(tag) =	ssettag s2;
	_ =	strace s9  }
0x27: {  	s1 =	sld [smem:$0x3FAF]  }
0x28: {  	s2 =	sld [smem:$0x3FB0]  }
0x29: {  	s4 =	sld [smem:$0x3FB2]  }
0x2a: {  	p0 =	seq.s32 s5, $0x0;
	s5 =	sld [smem:$0x3FB3]  }
0x2b: {  	s6 =	sld [smem:$0x3FB4]  }
0x2c: {  	s7 =	sld [smem:$0x3FB5]  }
0x2d: {  	s3 =	simm.s32 $0x108;
	s8 =	sld [smem:$0x3FB6]  }
0x2e: {  	s3 =	simm.s32 @!p0 $0x1082;
	s9 =	sld [smem:$0x3FB7]  }
0x2f: {  	lr =	sadd.s32 s0, s3;
	s0 =	sld [smem:$0x3FAE]  }
0x30: {  	s3 =	sld [smem:$0x3FB1]  }
0x31: {  	[smem:$0x3FBA] =	sst s10  }
0x32: {  	s10 =	sld [smem:$0x3FB8];
	_ =	sdelay $0x3  }
0x33: {  	p0 =	seq.s32 s10, $0x1;
	s10 =	sld [smem:$0x3FBA];
	_ =	sdelay $0x3  }
0x34: {  	[smem:$0x3FBA] =	sst s10  }
0x35: {  	s10 =	sld [smem:$0x3FB9];
	_ =	sdelay $0x3  }
0x36: {  	p1 =	seq.s32 s10, $0x1;
	s10 =	sld [smem:$0x3FBA];
	_ =	sdelay $0x3  }
0x37: {  	[smem:$0x3FBA] =	sst s10  }
0x38: {  	s10 =	sld [smem:$0x3FBB]  }
0x39: {  	_ = 	snop;
	(pc) =	sbr.ind lr, $3  }
0x3a: {  	_ = 	snop  }
0x3b: {  	_ = 	snop  }
0x3c: {  	p2 =	seq.s32 s10, $0x1;
	s10 =	sld [smem:$0x3FBA]  }
0x3d: {  	_ =	shalt  }
0x3e: {  	_ =	shalt  }
0x3f: {  	_ =	shalt  }
0x40: {  	_ =	shalt  }
0x41: {  	_ =	shalt  }
0x42: {  	_ =	shalt  }
0x43: {  	_ =	shalt  }
0x44: {  	_ =	shalt  }
0x45: {  	_ =	shalt  }
0x46: {  	_ =	shalt  }
0x47: {  	_ =	shalt  }
0x48: {  	_ =	shalt  }
0x49: {  	_ =	shalt  }
0x4a: {  	_ =	shalt  }
0x4b: {  	_ =	shalt  }
0x4c: {  	_ =	shalt  }
0x4d: {  	_ =	shalt  }
0x4e: {  	_ =	shalt  }
0x4f: {  	_ =	shalt  }
0x50: {  	_ =	shalt  }
0x51: {  	_ =	shalt  }
0x52: {  	_ =	shalt  }
0x53: {  	_ =	shalt  }
0x54: {  	_ =	shalt  }
0x55: {  	_ =	shalt  }
0x56: {  	_ =	shalt  }
0x57: {  	_ =	shalt  }
0x58: {  	_ =	shalt  }
0x59: {  	_ =	shalt  }
0x5a: {  	_ =	shalt  }
0x5b: {  	_ =	shalt  }
0x5c: {  	_ =	shalt  }
0x5d: {  	_ =	shalt  }
0x5e: {  	_ =	shalt  }
0x5f: {  	_ =	shalt  }
0x60: {  	_ =	shalt  }
0x61: {  	_ =	shalt  }
0x62: {  	_ =	shalt  }
0x63: {  	_ =	shalt  }
0x64: {  	_ =	shalt  }
0x65: {  	_ =	shalt  }
0x66: {  	_ =	shalt  }
0x67: {  	_ =	shalt  }
0x68: {  	_ =	shalt  }
0x69: {  	_ =	shalt  }
0x6a: {  	_ =	shalt  }
0x6b: {  	_ =	shalt  }
0x6c: {  	_ =	shalt  }
0x6d: {  	_ =	shalt  }
0x6e: {  	_ =	shalt  }
0x6f: {  	_ =	shalt  }
0x70: {  	_ =	shalt  }
0x71: {  	_ =	shalt  }
0x72: {  	_ =	shalt  }
0x73: {  	_ =	shalt  }
0x74: {  	_ =	shalt  }
0x75: {  	_ =	shalt  }
0x76: {  	_ =	shalt  }
0x77: {  	_ =	shalt  }
0x78: {  	_ =	shalt  }
0x79: {  	_ =	shalt  }
0x7a: {  	_ =	shalt  }
0x7b: {  	_ =	shalt  }
0x7c: {  	_ =	shalt  }
0x7d: {  	_ =	shalt  }
0x7e: {  	_ =	shalt  }
0x7f: {  	_ =	shalt  }
0x80: {  	_ =	shalt  }
0x81: {  	_ =	shalt  }
0x82: {  	_ =	shalt  }
0x83: {  	_ =	shalt  }
0x84: {  	_ =	shalt  }
0x85: {  	_ =	shalt  }
0x86: {  	_ =	shalt  }
0x87: {  	_ =	shalt  }
.Lfunc_end0:
.L_simem_size_0:
called_computation_lowered:
.L_overlay_start_0:
0x88: {  	s2 =	sld [smem:$0x3FD9]  }
0x89: {  	s3 =	sld [smem:$0x3FFE];
	_ =	sdelay $0x1  }
0x8a: {  	s1 =	srdreg.scid  }
0x8b: {  	s0 =	sand.u32 $0x1, s1  }
0x8c: {  	s14 =	sshll.u32 s0, $0xA;
	s2 =	sadd.s32 s3, s2  }
0x8d: {  	s2 =	sadd.s32 s2, s14  }
0x8e: {  	[smem:$0x3FC6] =	sst s2  }
0x8f: {  	_ = 	snop  }
0x90: {  	s2 =	sld [smem:$0x3FD0];
	_ =	sdelay $0x2  }
0x91: {  	s4 =	simm.s32 $0xA;
	s5 =	simm.s32 $0x10;
	s15 =	sld [smem:$0x3FC8]  }
0x92: {  	[smem:s5], [sflag:s4] =	dma.local [hbm:s2], $0x1  }
0x93: {  	_ =	swait.eq [sflag:s4], $0x1  }
0x94: {  	[sflag:s4] =	ssyncset.done $0x0  }
0x95: {  	[sflag:s4] =	ssyncadd.s32 $0xFFFFFFFF  }
0x96: {  	s16 =	sld [smem:$0x10];
	(tm) =	ssettm $0x1  }
0x97: {  	s17 =	sld [smem:$0x3FFB];
	_ =	sdelay $0x3  }
0x98: {  	_ =	strace s17  }
0x99: {  	s4 =	sld [smem:$0x3FFC];
	_ =	sdelay $0x3  }
0x9a: {  	_ =	strace s4  }
0x9b: {  	s4 =	sld [smem:$0x3FFD];
	_ =	sdelay $0x3  }
0x9c: {  	_ =	strace s4  }
0x9d: {  	_ =	strace $0x8FFFFFFF  }
0x9e: {  	s18 =	sld [smem:$0x3FDB];
	_ =	sdelay $0x1  }
0x9f: {  	s19 =	simm.s32 $_scs_section_size  }
0xa0: {  	s6 =	simm.s32 $_size__tile_overlayer_lowered;
	s7 =	simm.s32 $_tile_overlayer_lowered  }
0xa1: {  	s22 =	simm.s32 $0x1BFF;
	s21 =	sshll.u32 s7, $0x1;
	s4 =	sadd.s32 s19, s18  }
0xa2: {  	s8 =	simm.s32 $0x0;
	s20 =	sshll.u32 s6, $0x1;
	s6 =	sadd.s32 s21, s4  }
0xa3: {  	[timem:s8], [sflag:s22] =	dma.local [hbm:s6], s20  }
0xa4: {  	_ =	swait.ge [sflag:s22], s20  }
0xa5: {  	s5 =	ssub.s32 $0x0, s20;
	[sflag:s22] =	ssyncset.done $0x0  }
0xa6: {  	[sflag:s22] =	ssyncadd.s32 s5;
	_ =	sdelay $0x1  }
0xa7: {  	s23 =	simm.s32 $0x1B8B  }
0xa8: {  	_ =	swait.ge [sflag:s23], $0x1  }
0xa9: {  	[sflag:s23] =	ssyncset.done $0x0  }
0xaa: {  	s25 =	simm.s32 $0x1B8E;
	s24 =	sld [smem:$0x3FFE];
	[sflag:s23] =	ssyncadd.s32 $0xFFFFFFFF  }
0xab: {  	s26 =	simm.s32 $execute0_lowered;
	[smem:$0x3FD2] =	sst s25  }
0xac: {  	s6 =	sshll.u32 s26, $0x1;
	_ =	strace $0x80000046;
	[dreg:$0x1] =	wrdreg $0xFFFFFFFF  }
0xad: {  	s28 =	simm.s32 $_size_execute0_lowered;
	s4 =	sadd.s32 s4, s6;
	[dreg:$0x0] =	wrdreg $0x0  }
0xae: {  	s6 =	sshll.u32 s28, $0x1;
	[dreg:$0x2] =	wrdreg s4  }
0xaf: {  	[dreg:$0x3] =	wrdreg s6  }
0xb0: {  	[dreg:$0x4] =	wrdreg $0xC0  }
0xb1: {  	_ =	task [dreg:s8], $0x5FFFF  }
0xb2: {  	[dreg:$0x1] =	wrdreg $0xFFFFFFFF  }
0xb3: {  	[dreg:$0x0] =	wrdreg $0x60  }
0xb4: {  	[dreg:$0x2] =	wrdreg s15  }
0xb5: {  	[dreg:$0x3] =	wrdreg s24  }
0xb6: {  	[dreg:$0x4] =	wrdreg s16  }
0xb7: {  	[dreg:$0x5] =	wrdreg $0x9  }
0xb8: {  	_ =	task.clear_ibuf [dreg:s8], $0x6FFFF;
	_ =	strace $0x90000046  }
0xb9: {  	s29 =	simm.s32 $0x9;
	_ =	strace $0x80000048  }
0xba: {  	_ =	swait.ge [sflag:s29], $0x1  }
0xbb: {  	[sflag:s29] =	ssyncadd.s32 $0xFFFFFFFF  }
0xbc: {  	_ =	strace $0x90000048  }
0xbd: {  	_ =	sfence  }
0xbe: {  	s30 =	sld [smem:$0x0];
	_ =	sdelay $0x2  }
0xbf: {  	s31 =	sshll.u32 s1, $0xD;
	s1 =	sshrl.u32 s1, $0x2  }
0xc0: {  	s3 =	sand.u32 $0x4000, s31;
	s1 =	sadd.s32 s1, s30  }
0xc1: {  	s0 =	sor.u32 s3, s0;
	s1 =	sshll.u32 s1, $0x11  }
0xc2: {  	s0 =	sor.u32 s1, s0  }
0xc3: {  	s0 =	sadd.s32 $0x8F2B, s0  }
0xc4: {  	[sflag:s0] =	ssyncadd.remote.s32 $0x1  }
0xc5: {  	_ =	sfence.sel $0xFFFF  }
0xc6: {  	[dreg:$0x0] =	wrdreg $0xFFFFFFFF;
	(pc) =	sbr.abs _section_cstart, $3  }
0xc7: {  	[dreg:$0x1] =	wrdreg $0xFFFFFFFF  }
0xc8: {  	_ =	task.clear_ibuf [dreg:s8], $0x2FFFF;
	_ =	strace $0x9FFFFFFF  }
0xc9: {  	(tm) =	ssettm $0x7FFFFFFF  }
tec
execute0_lowered:
.L_overlay_start_1:
0x0: {  	(tag) =	ssettag $0x1  }
0x1: {  	s1 =	rddreg [dreg:$0x0]  }
0x2: {  	s2 =	srdreg.scid;
	s4 =	rddreg [dreg:$0x1]  }
0x3: {  	s0 =	stileid.u32;
	s6 =	rddreg [dreg:$0x2]  }
0x4: {  	s3 =	simm.s32 $0x0;
	s9 =	simm.s32 $0x900;
	s10 =	simm.s32 $0x1100  }
0x5: {  	s11 =	simm.s32 $0x1900;
	s12 =	simm.s32 $0x2100;
	s13 =	simm.s32 $0x2900  }
0x6: {  	s14 =	simm.s32 $0x3100;
	s15 =	simm.s32 $0x3900;
	s16 =	simm.s32 $0x4100  }
0x7: {  	s17 =	simm.s32 $0x4900;
	s18 =	simm.s32 $0x5100;
	s19 =	simm.s32 $0x5900  }
0x8: {  	s20 =	simm.s32 $0x6100;
	s21 =	simm.s32 $0x6900;
	s22 =	simm.s32 $0x7100  }
0x9: {  	s23 =	simm.s32 $0x7900;
	s5 =	sand.u32 $0x1, s2;
	s30 =	sshll.u32 s0, $0x1  }
0xa: {  	s24 =	simm.s32 $0x8100;
	s25 =	simm.s32 $0x8900;
	s7 =	sor.u32 s5, s30  }
0xb: {  	s26 =	simm.s32 $0x1;
	s2 =	rddreg [dreg:$0x3];
	s8 =	smul.u32 $0x12, s7  }
0xc: {  	[smem:$0x7FF] =	sst s3;
	s5 =	ssub.s32 $0x2, s5;
	s7 =	smul.u32 $0x1200, s7  }
0xd: {  	v2 =	vlaneseq.u32;
	_ =	strace $0x80000047;
	s31 =	sshrl.u32 s5, $0x1;
	s4 =	sadd.s32 s8, s4  }
0xe: {  	vm0 =	vmmov $0xffff;
	v1 =	vshrl.u32 v2, $0x3;
	s8 =	ssub.s32 s5, s31;
	s5 =	sadd.s32 s6, s7;
	s7 =	simm.s32 $0x2  }
0xf: {  	v0 =	vand.u32 $0x7, v2;
	v2 =	vor.u32 $0x8, v2;
	v1 =	vmul.u32 $0x8, v1;
	s4 =	sadd.s32 $0x600, s4;
	s6 =	smax.u32 s8, $0x1;
	s8 =	simm.s32 $0x100  }
.LBB2_1:
0x10: {  	[tilespmem:s3], [sflag:$0x2] =	stream.linear.gather [hbm4b:s4+s3], $0x90, $0x38;
	[tilespmem:$0x9100] =	vst v63  }
0x11: {  	_ =	swait.ge [sflag:s7], $0x90  }
0x12: {  	[sflag:s7] =	ssyncset.done $0x0  }
0x13: {  	[sflag:s7] =	ssyncadd.s32 $0xFFFFFF70  }
0x14: {  	v3 =	vld [tilespmem:$0x0];
	_ =	sdelay $0x4  }
0x15: {  	v4 =	vshll.u32 v3, $0x1  }
0x16: {  	v3 =	vand.u32 $0x7, v3;
	v4 =	vand.u32 $0xFFFFFFF0, v4  }
0x17: {  	v3 =	vor.u32 v3, v4  }
0x18: {  	v4 =	vperm.xlane v3, v0;
	_ =	sdelay $0x1  }
0x19: {  	v3 =	vperm.xlane v3, v2;
	v4 =	vadd.s32 v1, v4;
	_ =	sdelay $0x1  }
0x1a: {  	v3 =	vadd.s32 v1, v3;
	_ =	sdelay $0x2  }
0x1b: {  	[tilespmem:s8], [sflag:$0x1] =	stream.indirect_vreg.gather [hbm4b:s1+s3], $0x80, v4, vm0, $0xb8;
	[tilespmem:$0x9100] =	vst v63  }
0x1c: {  	_ = 	snop  }
0x1d: {  	[tilespmem:s9], [sflag:$0x1] =	stream.indirect_vreg.gather [hbm4b:s1+s3], $0x80, v3, vm0, $0xb8;
	[tilespmem:$0x9100] =	vst v63  }
0x1e: {  	v3 =	vld [tilespmem:$0x10];
	_ =	sdelay $0x4  }
0x1f: {  	v56 =	vshll.u32 v3, $0x1  }
0x20: {  	v3 =	vand.u32 $0x7, v3;
	v4 =	vand.u32 $0xFFFFFFF0, v56  }
0x21: {  	v3 =	vor.u32 v3, v4  }
0x22: {  	v4 =	vperm.xlane v3, v0;
	_ =	sdelay $0x1  }
0x23: {  	v3 =	vperm.xlane v3, v2;
	v4 =	vadd.s32 v1, v4;
	_ =	sdelay $0x1  }
0x24: {  	v3 =	vadd.s32 v1, v3;
	_ =	sdelay $0x2  }
0x25: {  	[tilespmem:s10], [sflag:$0x1] =	stream.indirect_vreg.gather [hbm4b:s1+s3], $0x80, v4, vm0, $0xb8;
	[tilespmem:$0x9100] =	vst v63  }
0x26: {  	_ = 	snop  }
0x27: {  	[tilespmem:s11], [sflag:$0x1] =	stream.indirect_vreg.gather [hbm4b:s1+s3], $0x80, v3, vm0, $0xb8;
	[tilespmem:$0x9100] =	vst v63  }
0x28: {  	v3 =	vld [tilespmem:$0x20];
	_ =	sdelay $0x4  }
0x29: {  	v57 =	vshll.u32 v3, $0x1  }
0x2a: {  	v3 =	vand.u32 $0x7, v3;
	v4 =	vand.u32 $0xFFFFFFF0, v57  }
0x2b: {  	v3 =	vor.u32 v3, v4  }
0x2c: {  	v4 =	vperm.xlane v3, v0;
	_ =	sdelay $0x1  }
0x2d: {  	v3 =	vperm.xlane v3, v2;
	v4 =	vadd.s32 v1, v4;
	_ =	sdelay $0x1  }
0x2e: {  	v3 =	vadd.s32 v1, v3;
	_ =	sdelay $0x2  }
0x2f: {  	[tilespmem:s12], [sflag:$0x1] =	stream.indirect_vreg.gather [hbm4b:s1+s3], $0x80, v4, vm0, $0xb8;
	[tilespmem:$0x9100] =	vst v63  }
0x30: {  	_ = 	snop  }
0x31: {  	[tilespmem:s13], [sflag:$0x1] =	stream.indirect_vreg.gather [hbm4b:s1+s3], $0x80, v3, vm0, $0xb8;
	[tilespmem:$0x9100] =	vst v63  }
0x32: {  	v3 =	vld [tilespmem:$0x30];
	_ =	sdelay $0x4  }
0x33: {  	v58 =	vshll.u32 v3, $0x1  }
0x34: {  	v3 =	vand.u32 $0x7, v3;
	v4 =	vand.u32 $0xFFFFFFF0, v58  }
0x35: {  	v3 =	vor.u32 v3, v4  }
0x36: {  	v4 =	vperm.xlane v3, v0;
	_ =	sdelay $0x1  }
0x37: {  	v3 =	vperm.xlane v3, v2;
	v4 =	vadd.s32 v1, v4;
	_ =	sdelay $0x1  }
0x38: {  	v3 =	vadd.s32 v1, v3;
	_ =	sdelay $0x2  }
0x39: {  	[tilespmem:s14], [sflag:$0x1] =	stream.indirect_vreg.gather [hbm4b:s1+s3], $0x80, v4, vm0, $0xb8;
	[tilespmem:$0x9100] =	vst v63  }
0x3a: {  	_ = 	snop  }
0x3b: {  	[tilespmem:s15], [sflag:$0x1] =	stream.indirect_vreg.gather [hbm4b:s1+s3], $0x80, v3, vm0, $0xb8;
	[tilespmem:$0x9100] =	vst v63  }
0x3c: {  	v3 =	vld [tilespmem:$0x40];
	_ =	sdelay $0x4  }
0x3d: {  	v59 =	vshll.u32 v3, $0x1  }
0x3e: {  	v3 =	vand.u32 $0x7, v3;
	v4 =	vand.u32 $0xFFFFFFF0, v59  }
0x3f: {  	v3 =	vor.u32 v3, v4  }
0x40: {  	v4 =	vperm.xlane v3, v0;
	_ =	sdelay $0x1  }
0x41: {  	v3 =	vperm.xlane v3, v2;
	v4 =	vadd.s32 v1, v4;
	_ =	sdelay $0x1  }
0x42: {  	v3 =	vadd.s32 v1, v3;
	_ =	sdelay $0x2  }
0x43: {  	[tilespmem:s16], [sflag:$0x1] =	stream.indirect_vreg.gather [hbm4b:s1+s3], $0x80, v4, vm0, $0xb8;
	[tilespmem:$0x9100] =	vst v63  }
0x44: {  	_ = 	snop  }
0x45: {  	[tilespmem:s17], [sflag:$0x1] =	stream.indirect_vreg.gather [hbm4b:s1+s3], $0x80, v3, vm0, $0xb8;
	[tilespmem:$0x9100] =	vst v63  }
0x46: {  	v3 =	vld [tilespmem:$0x50];
	_ =	sdelay $0x4  }
0x47: {  	v60 =	vshll.u32 v3, $0x1  }
0x48: {  	v3 =	vand.u32 $0x7, v3;
	v4 =	vand.u32 $0xFFFFFFF0, v60  }
0x49: {  	v3 =	vor.u32 v3, v4  }
0x4a: {  	v4 =	vperm.xlane v3, v0;
	_ =	sdelay $0x1  }
0x4b: {  	v3 =	vperm.xlane v3, v2;
	v4 =	vadd.s32 v1, v4;
	_ =	sdelay $0x1  }
0x4c: {  	v3 =	vadd.s32 v1, v3;
	_ =	sdelay $0x2  }
0x4d: {  	[tilespmem:s18], [sflag:$0x1] =	stream.indirect_vreg.gather [hbm4b:s1+s3], $0x80, v4, vm0, $0xb8;
	[tilespmem:$0x9100] =	vst v63  }
0x4e: {  	_ = 	snop  }
0x4f: {  	[tilespmem:s19], [sflag:$0x1] =	stream.indirect_vreg.gather [hbm4b:s1+s3], $0x80, v3, vm0, $0xb8;
	[tilespmem:$0x9100] =	vst v63  }
0x50: {  	v3 =	vld [tilespmem:$0x60];
	_ =	sdelay $0x4  }
0x51: {  	v61 =	vshll.u32 v3, $0x1  }
0x52: {  	v3 =	vand.u32 $0x7, v3;
	v4 =	vand.u32 $0xFFFFFFF0, v61  }
0x53: {  	v3 =	vor.u32 v3, v4  }
0x54: {  	v4 =	vperm.xlane v3, v0;
	_ =	sdelay $0x1  }
0x55: {  	v3 =	vperm.xlane v3, v2;
	v4 =	vadd.s32 v1, v4;
	_ =	sdelay $0x1  }
0x56: {  	v3 =	vadd.s32 v1, v3;
	_ =	sdelay $0x2  }
0x57: {  	[tilespmem:s20], [sflag:$0x1] =	stream.indirect_vreg.gather [hbm4b:s1+s3], $0x80, v4, vm0, $0xb8;
	[tilespmem:$0x9100] =	vst v63  }
0x58: {  	_ = 	snop  }
0x59: {  	[tilespmem:s21], [sflag:$0x1] =	stream.indirect_vreg.gather [hbm4b:s1+s3], $0x80, v3, vm0, $0xb8;
	[tilespmem:$0x9100] =	vst v63  }
0x5a: {  	v3 =	vld [tilespmem:$0x70];
	_ =	sdelay $0x4  }
0x5b: {  	v62 =	vshll.u32 v3, $0x1  }
0x5c: {  	v3 =	vand.u32 $0x7, v3;
	v4 =	vand.u32 $0xFFFFFFF0, v62  }
0x5d: {  	v3 =	vor.u32 v3, v4  }
0x5e: {  	v4 =	vperm.xlane v3, v0;
	_ =	sdelay $0x1  }
0x5f: {  	v3 =	vperm.xlane v3, v2;
	v4 =	vadd.s32 v1, v4;
	_ =	sdelay $0x1  }
0x60: {  	v3 =	vadd.s32 v1, v3;
	_ =	sdelay $0x2  }
0x61: {  	[tilespmem:s22], [sflag:$0x1] =	stream.indirect_vreg.gather [hbm4b:s1+s3], $0x80, v4, vm0, $0xb8;
	[tilespmem:$0x9100] =	vst v63  }
0x62: {  	_ = 	snop  }
0x63: {  	[tilespmem:s23], [sflag:$0x1] =	stream.indirect_vreg.gather [hbm4b:s1+s3], $0x80, v3, vm0, $0xb8;
	[tilespmem:$0x9100] =	vst v63  }
0x64: {  	v3 =	vld [tilespmem:$0x80];
	_ =	sdelay $0x4  }
0x65: {  	v63 =	vshll.u32 v3, $0x1  }
0x66: {  	v3 =	vand.u32 $0x7, v3;
	v4 =	vand.u32 $0xFFFFFFF0, v63  }
0x67: {  	v3 =	vor.u32 v3, v4  }
0x68: {  	v4 =	vperm.xlane v3, v0;
	_ =	sdelay $0x1  }
0x69: {  	v3 =	vperm.xlane v3, v2;
	v4 =	vadd.s32 v1, v4;
	_ =	sdelay $0x1  }
0x6a: {  	v3 =	vadd.s32 v1, v3;
	_ =	sdelay $0x2  }
0x6b: {  	[tilespmem:s24], [sflag:$0x1] =	stream.indirect_vreg.gather [hbm4b:s1+s3], $0x80, v4, vm0, $0xb8;
	[tilespmem:$0x9100] =	vst v63  }
0x6c: {  	_ = 	snop  }
0x6d: {  	[tilespmem:s25], [sflag:$0x1] =	stream.indirect_vreg.gather [hbm4b:s1+s3], $0x80, v3, vm0, $0xb8;
	[tilespmem:$0x9100] =	vst v63  }
0x6e: {  	_ =	swait.ge [sflag:s26], $0x9000  }
0x6f: {  	p0 =	sne.s32 s6, $0x1;
	[sflag:s26] =	ssyncset.done $0x0  }
.Ltmp0:
0x70: {  	[sflag:s26] =	ssyncadd.s32 $0xFFFF7000;
	(pc) =	sbr.rel @p0 .LBB2_1-.Ltmp0, $4  }
0x71: {  	[hbm4b:s5+s3] =	stream.linear.scatter [tilespmem:s8], [sflag:$0x2], $0x9000, $0x38;
	[tilespmem:$0x9100] =	vst v63  }
0x72: {  	_ =	swait.ge [sflag:s7], $0x9000  }
0x73: {  	[sflag:s7] =	ssyncset.done $0x0  }
0x74: {  	s6 =	sadd.s32 $0xFFFFFFFF, s6;
	[sflag:s7] =	ssyncadd.s32 $0xFFFF7000  }
0x75: {  	_ =	sfence.sel $0x180000  }
0x76: {  	[bflag:$0x0] =	sbarrier.arrive $0xFFFF  }
0x77: {  	p0 =	sne.s32 s0, $0x0;
	_ =	strace $0x90000047  }
0x78: {  	s0 =	sadd.s32 @!p0 $0x100000, s2;
	[bflag:$0x2] =	sbarrier.arrive $0xFFFF  }
0x79: {  	[sflag:s0] =	ssyncadd.tile.s32 @!p0 $0x1;
	_ =	shalt  }
.Lfunc_end2:
_tile_overlayer_lowered:
.L_overlay_start_2:
0x7a: {  	(tag) =	ssettag $0x2  }
0x7b: {  	s0 =	rddreg [dreg:$0x0];
	s2 =	stileid.u32  }
0x7c: {  	s1 =	rddreg [dreg:$0x1];
	p0 =	sne.s32 s2, $0x0  }
0x7d: {  	s3 =	rddreg [dreg:$0x2];
	[bflag:$0x3] =	sbarrier.arrive $0xFFFF;
	s2 =	simm.s32 @!p0 $0x1C02  }
0x7e: {  	[timem:s3], [sflag:s2] =	dma.local @!p0 [hbm:s0], s1  }
0x7f: {  	s0 =	simm.s32 @!p0 $0x2  }
0x80: {  	_ =	swait.ge @!p0 [sflag:s0], s1  }
0x81: {  	s1 =	ssub.s32 @!p0 $0x0, s1;
	[sflag:s0] =	ssyncset.done @!p0 $0x0  }
0x82: {  	[sflag:s0] =	ssyncadd.s32 @!p0 s1  }
0x83: {  	[bflag:$0x3] =	sbarrier.arrive $0xFFFF  }
0x84: {  	_ =	shalt  }

</sc_bundles>
